<compile_context>
chip_gen: v7x
topology: tpu7x:2x2x1
jax: 0.10.2.dev20260603
libtpu: 0.0.44.dev20260713+nightly
codegen_flags: <defaults>
</compile_context>

<pallas_src>
import jax
import jax.numpy as jnp
from jax import lax
from jax.experimental import pallas as pl
from jax.experimental.pallas import tpu as pltpu
from jax.experimental.pallas import tpu_sc as plsc

VOCAB = 1000000
DIM = 64
BATCH = 4096
HIST = 200

B = BATCH * HIST
NC = 2
NS = 16
NW = NC * NS
BPW = B // NW
G = 128
NU = BPW // G
NBUF = 6
AHEAD = 3
ROUNDS = (NU - 2) // NBUF


def _emb_body(xb, tfat, out2, idx_all, *bufs_and_sems):
    rows = bufs_and_sems[:NBUF]
    gsem = bufs_and_sems[NBUF:2 * NBUF]
    osem = bufs_and_sems[2 * NBUF:3 * NBUF]

    w = lax.axis_index("s") * NC + lax.axis_index("c")
    base = w * BPW

    pltpu.sync_copy(xb.at[w], idx_all)

    def fire_gather(u, j):
        pltpu.async_copy(tfat.at[idx_all.at[u]], rows[j], gsem[j])

    def drain_gather(j):
        pltpu.make_async_copy(tfat.at[pl.ds(0, G)], rows[j], gsem[j]).wait()

    def fire_wb(u, j):
        pltpu.async_copy(rows[j], out2.at[pl.ds(base + u * G, G)], osem[j])

    def drain_wb(j):
        pltpu.make_async_copy(rows[j], out2.at[pl.ds(0, G)], osem[j]).wait()

    for u0 in range(AHEAD):
        fire_gather(u0, u0 % NBUF)

    def phase(u, j):
        drain_gather(j)
        fire_wb(u, j)
        j2 = (j + AHEAD) % NBUF

        @pl.when(u + AHEAD >= NBUF)
        def _():
            drain_wb(j2)

        @pl.when(u + AHEAD < NU)
        def _():
            fire_gather(u + AHEAD, j2)

    def round_(k, carry):
        for j in range(NBUF):
            phase(NBUF * k + j, j)
        return carry

    lax.fori_loop(0, ROUNDS, round_, 0)
    for u in range(NBUF * ROUNDS, NU):
        j = u % NBUF
        drain_gather(j)
        fire_wb(u, j)
        j2 = (j + AHEAD) % NBUF
        drain_wb(j2)
        if u + AHEAD < NU:
            fire_gather(u + AHEAD, j2)
    for u in range(NU - AHEAD, NU):
        drain_wb(u % NBUF)


@jax.jit
def _emb(xb, tfat):
    mesh = plsc.VectorSubcoreMesh(core_axis_name="c", subcore_axis_name="s")
    run = pl.kernel(
        _emb_body,
        out_type=jax.ShapeDtypeStruct((B, 128), jnp.float32),
        mesh=mesh,
        scratch_types=(
            [pltpu.VMEM((NU, G), jnp.int32)]
            + [pltpu.VMEM((G, 128), jnp.float32)] * NBUF
            + [pltpu.SemaphoreType.DMA] * (2 * NBUF)
        ),
        compiler_params=pltpu.CompilerParams(needs_layout_passes=False),
    )
    return run(xb, tfat)


def kernel(x, table):
    xb = x.reshape(NW, NU, G).astype(jnp.int32)
    tfat = jnp.pad(table, ((0, 0), (0, 128 - DIM)))
    out2 = _emb(xb, tfat)
    return out2[:, :DIM].reshape(BATCH, HIST, DIM)

# --- scband reference (transcript-rebuilt; emitter-appended) ---
"""Pipeline reference for scband-seq-embedding-27487790694720 (READ-ONLY COPY).

The authoritative reference and input builder live on the scoring server;
editing this copy changes nothing except your own understanding.
"""

import jax, jax.numpy as jnp
import numpy as np

VOCAB = 1000000
DIM = 64
BATCH = 4096
HIST = 200

def setup_inputs(seed: int = 0) -> dict:
    key = jax.random.key(seed)
    k_idx, k_tab = jax.random.split(key)
    x = jax.random.randint(k_idx, (BATCH, HIST), 0, VOCAB, dtype=jnp.int64 if jax.config.jax_enable_x64 else jnp.int32)
    table = jax.random.normal(k_tab, (VOCAB, DIM), dtype=jnp.float32)
    return {"x": x, "table": table}

def reference(x, table):
    # nn.Embedding lookup: out[b, t, :] = table[x[b, t], :]
    out = jnp.take(table, x, axis=0)
    return out

if __name__ == "__main__":
    import jax
    _d = setup_inputs()
    print(jax.jit(kernel)(*tuple(_d.values())))

</pallas_src>

<mosaic_0001>
#map = affine_map<(d0, d1) -> (0, 0, 0)>
#map1 = affine_map<(d0, d1) -> (0, 0)>
module attributes {stable_mosaic.version = 14 : i64} {
  func.func @_emb_body(%arg0: i32, %arg1: i32, %arg2: memref<32x200x128xi32, #tpu.memory_space<hbm>>, %arg3: memref<1000000x128xf32, #tpu.memory_space<hbm>>, %arg4: memref<819200x128xf32, #tpu.memory_space<hbm>>, %arg5: memref<200x128xi32, #tpu.memory_space<vmem>>, %arg6: memref<128x128xf32, #tpu.memory_space<vmem>>, %arg7: memref<128x128xf32, #tpu.memory_space<vmem>>, %arg8: memref<128x128xf32, #tpu.memory_space<vmem>>, %arg9: memref<128x128xf32, #tpu.memory_space<vmem>>, %arg10: memref<128x128xf32, #tpu.memory_space<vmem>>, %arg11: memref<128x128xf32, #tpu.memory_space<vmem>>, %arg12: memref<!tpu.dma_semaphore, #tpu.memory_space<semaphore_mem>>, %arg13: memref<!tpu.dma_semaphore, #tpu.memory_space<semaphore_mem>>, %arg14: memref<!tpu.dma_semaphore, #tpu.memory_space<semaphore_mem>>, %arg15: memref<!tpu.dma_semaphore, #tpu.memory_space<semaphore_mem>>, %arg16: memref<!tpu.dma_semaphore, #tpu.memory_space<semaphore_mem>>, %arg17: memref<!tpu.dma_semaphore, #tpu.memory_space<semaphore_mem>>, %arg18: memref<!tpu.dma_semaphore, #tpu.memory_space<semaphore_mem>>, %arg19: memref<!tpu.dma_semaphore, #tpu.memory_space<semaphore_mem>>, %arg20: memref<!tpu.dma_semaphore, #tpu.memory_space<semaphore_mem>>, %arg21: memref<!tpu.dma_semaphore, #tpu.memory_space<semaphore_mem>>, %arg22: memref<!tpu.dma_semaphore, #tpu.memory_space<semaphore_mem>>, %arg23: memref<!tpu.dma_semaphore, #tpu.memory_space<semaphore_mem>>) attributes {dimension_semantics = [#tpu.dimension_semantics<core_parallel>, #tpu.dimension_semantics<subcore_parallel>], iteration_bounds = array<i64: 2, 16>, scalar_prefetch = 0 : i64, scratch_operands = 19 : i64, tpu.core_type = #tpu.core_type<sc_vector_subcore>, window_params = [{transform_indices = #map}, {transform_indices = #map1}, {transform_indices = #map1}]} {
    %mul3A = arith.constant 2 : i32
    %mul3A_0 = arith.muli %arg1, %mul3A : i32
    %add3A = arith.addi %mul3A_0, %arg0 : i32
    %mul3A_1 = arith.constant 25600 : i32
    %mul3A_2 = arith.muli %add3A, %mul3A_1 : i32
    "tpu.region"() ({
      %run_scoped3A = tpu.sem_alloc : memref<!tpu.dma_semaphore, #tpu.memory_space<semaphore_mem>>
      %dma_start3A_81 = arith.constant 0 : i32
      %dma_start3A_82 = arith.constant 0 : i32
      %dma_start3A_83 = tpu.memref_slice %arg2[%add3A, %dma_start3A_81, %dma_start3A_82] : memref<32x200x128xi32, #tpu.memory_space<hbm>> -> memref<1x200x128xi32, #tpu.memory_space<hbm>>
      %dma_start3A_84 = tpu.memref_squeeze %dma_start3A_83 : memref<1x200x128xi32, #tpu.memory_space<hbm>> -> memref<200x128xi32, #tpu.memory_space<hbm>>
      %dma_start3A_85 = arith.constant 0 : i32
      %dma_start3A_86 = arith.constant 0 : i32
      %dma_start3A_87 = tpu.memref_slice %arg2[%add3A, %dma_start3A_85, %dma_start3A_86] : memref<32x200x128xi32, #tpu.memory_space<hbm>> -> memref<1x200x128xi32, #tpu.memory_space<hbm>>
      %dma_start3A_88 = tpu.memref_squeeze %dma_start3A_87 : memref<1x200x128xi32, #tpu.memory_space<hbm>> -> memref<200x128xi32, #tpu.memory_space<hbm>>
      tpu.enqueue_dma source(%dma_start3A_88 : memref<200x128xi32, #tpu.memory_space<hbm>>) target(%arg5 : memref<200x128xi32, #tpu.memory_space<vmem>>) target_semaphore(%run_scoped3A : memref<!tpu.dma_semaphore, #tpu.memory_space<semaphore_mem>>)
      %dma_wait3A_89 = arith.constant 0 : i32
      %dma_wait3A_90 = arith.constant 0 : i32
      %dma_wait3A_91 = tpu.memref_slice %arg2[%add3A, %dma_wait3A_89, %dma_wait3A_90] : memref<32x200x128xi32, #tpu.memory_space<hbm>> -> memref<1x200x128xi32, #tpu.memory_space<hbm>>
      %dma_wait3A_92 = tpu.memref_squeeze %dma_wait3A_91 : memref<1x200x128xi32, #tpu.memory_space<hbm>> -> memref<200x128xi32, #tpu.memory_space<hbm>>
      %dma_wait3A_93 = arith.constant 0 : i32
      %dma_wait3A_94 = arith.constant 0 : i32
      %dma_wait3A_95 = tpu.memref_slice %arg2[%add3A, %dma_wait3A_93, %dma_wait3A_94] : memref<32x200x128xi32, #tpu.memory_space<hbm>> -> memref<1x200x128xi32, #tpu.memory_space<hbm>>
      %dma_wait3A_96 = tpu.memref_squeeze %dma_wait3A_95 : memref<1x200x128xi32, #tpu.memory_space<hbm>> -> memref<200x128xi32, #tpu.memory_space<hbm>>
      tpu.wait_dma2 semaphore(%run_scoped3A : memref<!tpu.dma_semaphore, #tpu.memory_space<semaphore_mem>>) src(%dma_wait3A_96 : memref<200x128xi32, #tpu.memory_space<hbm>>) dst(%arg5 : memref<200x128xi32, #tpu.memory_space<vmem>>)
      tpu.yield
    }) : () -> ()
    %dma_start3A = arith.constant 0 : i32
    %dma_start3A_3 = arith.constant 0 : i32
    %dma_start3A_4 = tpu.memref_slice %arg5[%dma_start3A, %dma_start3A_3] : memref<200x128xi32, #tpu.memory_space<vmem>> -> memref<1x128xi32, #tpu.memory_space<vmem>>
    %dma_start3A_5 = tpu.memref_squeeze %dma_start3A_4 : memref<1x128xi32, #tpu.memory_space<vmem>> -> memref<128xi32, #tpu.memory_space<vmem>>
    %dma_start3A_6 = arith.constant 0 : i32
    %dma_start3A_7 = arith.constant 0 : i32
    %dma_start3A_8 = tpu.memref_slice %arg3[%dma_start3A_6, %dma_start3A_7] : memref<1000000x128xf32, #tpu.memory_space<hbm>> -> memref<1000000x128xf32, #tpu.memory_space<hbm>>
    tpu.enqueue_indirect_dma source(%dma_start3A_8 : memref<1000000x128xf32, #tpu.memory_space<hbm>>) target(%arg6 : memref<128x128xf32, #tpu.memory_space<vmem>>) offsets(%dma_start3A_5 : memref<128xi32, #tpu.memory_space<vmem>>) semaphore(%arg12 : memref<!tpu.dma_semaphore, #tpu.memory_space<semaphore_mem>>)
    %dma_start3A_9 = arith.constant 1 : i32
    %dma_start3A_10 = arith.constant 0 : i32
    %dma_start3A_11 = tpu.memref_slice %arg5[%dma_start3A_9, %dma_start3A_10] : memref<200x128xi32, #tpu.memory_space<vmem>> -> memref<1x128xi32, #tpu.memory_space<vmem>>
    %dma_start3A_12 = tpu.memref_squeeze %dma_start3A_11 : memref<1x128xi32, #tpu.memory_space<vmem>> -> memref<128xi32, #tpu.memory_space<vmem>>
    %dma_start3A_13 = arith.constant 0 : i32
    %dma_start3A_14 = arith.constant 0 : i32
    %dma_start3A_15 = tpu.memref_slice %arg3[%dma_start3A_13, %dma_start3A_14] : memref<1000000x128xf32, #tpu.memory_space<hbm>> -> memref<1000000x128xf32, #tpu.memory_space<hbm>>
    tpu.enqueue_indirect_dma source(%dma_start3A_15 : memref<1000000x128xf32, #tpu.memory_space<hbm>>) target(%arg7 : memref<128x128xf32, #tpu.memory_space<vmem>>) offsets(%dma_start3A_12 : memref<128xi32, #tpu.memory_space<vmem>>) semaphore(%arg13 : memref<!tpu.dma_semaphore, #tpu.memory_space<semaphore_mem>>)
    %dma_start3A_16 = arith.constant 2 : i32
    %dma_start3A_17 = arith.constant 0 : i32
    %dma_start3A_18 = tpu.memref_slice %arg5[%dma_start3A_16, %dma_start3A_17] : memref<200x128xi32, #tpu.memory_space<vmem>> -> memref<1x128xi32, #tpu.memory_space<vmem>>
    %dma_start3A_19 = tpu.memref_squeeze %dma_start3A_18 : memref<1x128xi32, #tpu.memory_space<vmem>> -> memref<128xi32, #tpu.memory_space<vmem>>
    %dma_start3A_20 = arith.constant 0 : i32
    %dma_start3A_21 = arith.constant 0 : i32
    %dma_start3A_22 = tpu.memref_slice %arg3[%dma_start3A_20, %dma_start3A_21] : memref<1000000x128xf32, #tpu.memory_space<hbm>> -> memref<1000000x128xf32, #tpu.memory_space<hbm>>
    tpu.enqueue_indirect_dma source(%dma_start3A_22 : memref<1000000x128xf32, #tpu.memory_space<hbm>>) target(%arg8 : memref<128x128xf32, #tpu.memory_space<vmem>>) offsets(%dma_start3A_19 : memref<128xi32, #tpu.memory_space<vmem>>) semaphore(%arg14 : memref<!tpu.dma_semaphore, #tpu.memory_space<semaphore_mem>>)
    %scan3A = arith.constant 0 : i32
    %scan3A_23 = arith.constant 0 : i32
    %scan3A_24 = arith.constant 33 : i32
    %scan3A_25 = arith.addi %scan3A_23, %scan3A_24 : i32
    %scan3A_26 = arith.constant 1 : i32
    scf.for %scan3A_81 = %scan3A_23 to %scan3A_25 step %scan3A_26  : i32 {
      %mul3A_82 = arith.constant 6 : i32
      %mul3A_83 = arith.muli %mul3A_82, %scan3A_81 : i32
      %add3A_84 = arith.constant 0 : i32
      %add3A_85 = arith.addi %mul3A_83, %add3A_84 : i32
      %dma_wait3A_86 = arith.constant 0 : i32
      %dma_wait3A_87 = arith.constant 0 : i32
      %dma_wait3A_88 = tpu.memref_slice %arg3[%dma_wait3A_86, %dma_wait3A_87] : memref<1000000x128xf32, #tpu.memory_space<hbm>> -> memref<128x128xf32, #tpu.memory_space<hbm>>
      %dma_wait3A_89 = arith.constant 0 : i32
      %dma_wait3A_90 = arith.constant 0 : i32
      %dma_wait3A_91 = tpu.memref_slice %arg3[%dma_wait3A_89, %dma_wait3A_90] : memref<1000000x128xf32, #tpu.memory_space<hbm>> -> memref<128x128xf32, #tpu.memory_space<hbm>>
      tpu.wait_dma2 semaphore(%arg12 : memref<!tpu.dma_semaphore, #tpu.memory_space<semaphore_mem>>) src(%dma_wait3A_91 : memref<128x128xf32, #tpu.memory_space<hbm>>) dst(%arg6 : memref<128x128xf32, #tpu.memory_space<vmem>>)
      %mul3A_92 = arith.constant 128 : i32
      %mul3A_93 = arith.muli %add3A_85, %mul3A_92 : i32
      %add3A_94 = arith.addi %mul3A_2, %mul3A_93 : i32
      %dma_start3A_95 = arith.constant 0 : i32
      %dma_start3A_96 = tpu.memref_slice %arg4[%add3A_94, %dma_start3A_95] : memref<819200x128xf32, #tpu.memory_space<hbm>> -> memref<128x128xf32, #tpu.memory_space<hbm>>
      %dma_start3A_97 = arith.constant 0 : i32
      %dma_start3A_98 = tpu.memref_slice %arg4[%add3A_94, %dma_start3A_97] : memref<819200x128xf32, #tpu.memory_space<hbm>> -> memref<128x128xf32, #tpu.memory_space<hbm>>
      tpu.enqueue_dma source(%arg6 : memref<128x128xf32, #tpu.memory_space<vmem>>) target(%dma_start3A_98 : memref<128x128xf32, #tpu.memory_space<hbm>>) target_semaphore(%arg18 : memref<!tpu.dma_semaphore, #tpu.memory_space<semaphore_mem>>)
      %add3A_99 = arith.constant 3 : i32
      %add3A_100 = arith.addi %add3A_85, %add3A_99 : i32
      %ge3A = arith.constant 6 : i32
      %ge3A_101 = arith.cmpi sge, %add3A_100, %ge3A : i32
      %convert_element_type3A = arith.extui %ge3A_101 : i1 to i32
      %cond3A = arith.constant 0 : i32
      %cond3A_102 = arith.cmpi ne, %convert_element_type3A, %cond3A : i32
      scf.if %cond3A_102 {
        %dma_wait3A_264 = arith.constant 0 : i32
        %dma_wait3A_265 = arith.constant 0 : i32
        %dma_wait3A_266 = tpu.memref_slice %arg4[%dma_wait3A_264, %dma_wait3A_265] : memref<819200x128xf32, #tpu.memory_space<hbm>> -> memref<128x128xf32, #tpu.memory_space<hbm>>
        %dma_wait3A_267 = arith.constant 0 : i32
        %dma_wait3A_268 = arith.constant 0 : i32
        %dma_wait3A_269 = tpu.memref_slice %arg4[%dma_wait3A_267, %dma_wait3A_268] : memref<819200x128xf32, #tpu.memory_space<hbm>> -> memref<128x128xf32, #tpu.memory_space<hbm>>
        tpu.wait_dma2 semaphore(%arg21 : memref<!tpu.dma_semaphore, #tpu.memory_space<semaphore_mem>>) src(%arg9 : memref<128x128xf32, #tpu.memory_space<vmem>>) dst(%dma_wait3A_269 : memref<128x128xf32, #tpu.memory_space<hbm>>)
      } else {
      }
      %add3A_103 = arith.constant 3 : i32
      %add3A_104 = arith.addi %add3A_85, %add3A_103 : i32
      %lt3A = arith.constant 200 : i32
      %lt3A_105 = arith.cmpi slt, %add3A_104, %lt3A : i32
      %convert_element_type3A_106 = arith.extui %lt3A_105 : i1 to i32
      %cond3A_107 = arith.constant 0 : i32
      %cond3A_108 = arith.cmpi ne, %convert_element_type3A_106, %cond3A_107 : i32
      scf.if %cond3A_108 {
        %add3A_264 = arith.constant 3 : i32
        %add3A_265 = arith.addi %add3A_85, %add3A_264 : i32
        %dma_start3A_266 = arith.constant 0 : i32
        %dma_start3A_267 = tpu.memref_slice %arg5[%add3A_265, %dma_start3A_266] : memref<200x128xi32, #tpu.memory_space<vmem>> -> memref<1x128xi32, #tpu.memory_space<vmem>>
        %dma_start3A_268 = tpu.memref_squeeze %dma_start3A_267 : memref<1x128xi32, #tpu.memory_space<vmem>> -> memref<128xi32, #tpu.memory_space<vmem>>
        %dma_start3A_269 = arith.constant 0 : i32
        %dma_start3A_270 = arith.constant 0 : i32
        %dma_start3A_271 = tpu.memref_slice %arg3[%dma_start3A_269, %dma_start3A_270] : memref<1000000x128xf32, #tpu.memory_space<hbm>> -> memref<1000000x128xf32, #tpu.memory_space<hbm>>
        tpu.enqueue_indirect_dma source(%dma_start3A_271 : memref<1000000x128xf32, #tpu.memory_space<hbm>>) target(%arg9 : memref<128x128xf32, #tpu.memory_space<vmem>>) offsets(%dma_start3A_268 : memref<128xi32, #tpu.memory_space<vmem>>) semaphore(%arg15 : memref<!tpu.dma_semaphore, #tpu.memory_space<semaphore_mem>>)
      } else {
      }
      %mul3A_109 = arith.constant 6 : i32
      %mul3A_110 = arith.muli %mul3A_109, %scan3A_81 : i32
      %add3A_111 = arith.constant 1 : i32
      %add3A_112 = arith.addi %mul3A_110, %add3A_111 : i32
      %dma_wait3A_113 = arith.constant 0 : i32
      %dma_wait3A_114 = arith.constant 0 : i32
      %dma_wait3A_115 = tpu.memref_slice %arg3[%dma_wait3A_113, %dma_wait3A_114] : memref<1000000x128xf32, #tpu.memory_space<hbm>> -> memref<128x128xf32, #tpu.memory_space<hbm>>
      %dma_wait3A_116 = arith.constant 0 : i32
      %dma_wait3A_117 = arith.constant 0 : i32
      %dma_wait3A_118 = tpu.memref_slice %arg3[%dma_wait3A_116, %dma_wait3A_117] : memref<1000000x128xf32, #tpu.memory_space<hbm>> -> memref<128x128xf32, #tpu.memory_space<hbm>>
      tpu.wait_dma2 semaphore(%arg13 : memref<!tpu.dma_semaphore, #tpu.memory_space<semaphore_mem>>) src(%dma_wait3A_118 : memref<128x128xf32, #tpu.memory_space<hbm>>) dst(%arg7 : memref<128x128xf32, #tpu.memory_space<vmem>>)
      %mul3A_119 = arith.constant 128 : i32
      %mul3A_120 = arith.muli %add3A_112, %mul3A_119 : i32
      %add3A_121 = arith.addi %mul3A_2, %mul3A_120 : i32
      %dma_start3A_122 = arith.constant 0 : i32
      %dma_start3A_123 = tpu.memref_slice %arg4[%add3A_121, %dma_start3A_122] : memref<819200x128xf32, #tpu.memory_space<hbm>> -> memref<128x128xf32, #tpu.memory_space<hbm>>
      %dma_start3A_124 = arith.constant 0 : i32
      %dma_start3A_125 = tpu.memref_slice %arg4[%add3A_121, %dma_start3A_124] : memref<819200x128xf32, #tpu.memory_space<hbm>> -> memref<128x128xf32, #tpu.memory_space<hbm>>
      tpu.enqueue_dma source(%arg7 : memref<128x128xf32, #tpu.memory_space<vmem>>) target(%dma_start3A_125 : memref<128x128xf32, #tpu.memory_space<hbm>>) target_semaphore(%arg19 : memref<!tpu.dma_semaphore, #tpu.memory_space<semaphore_mem>>)
      %add3A_126 = arith.constant 3 : i32
      %add3A_127 = arith.addi %add3A_112, %add3A_126 : i32
      %ge3A_128 = arith.constant 6 : i32
      %ge3A_129 = arith.cmpi sge, %add3A_127, %ge3A_128 : i32
      %convert_element_type3A_130 = arith.extui %ge3A_129 : i1 to i32
      %cond3A_131 = arith.constant 0 : i32
      %cond3A_132 = arith.cmpi ne, %convert_element_type3A_130, %cond3A_131 : i32
      scf.if %cond3A_132 {
        %dma_wait3A_264 = arith.constant 0 : i32
        %dma_wait3A_265 = arith.constant 0 : i32
        %dma_wait3A_266 = tpu.memref_slice %arg4[%dma_wait3A_264, %dma_wait3A_265] : memref<819200x128xf32, #tpu.memory_space<hbm>> -> memref<128x128xf32, #tpu.memory_space<hbm>>
        %dma_wait3A_267 = arith.constant 0 : i32
        %dma_wait3A_268 = arith.constant 0 : i32
        %dma_wait3A_269 = tpu.memref_slice %arg4[%dma_wait3A_267, %dma_wait3A_268] : memref<819200x128xf32, #tpu.memory_space<hbm>> -> memref<128x128xf32, #tpu.memory_space<hbm>>
        tpu.wait_dma2 semaphore(%arg22 : memref<!tpu.dma_semaphore, #tpu.memory_space<semaphore_mem>>) src(%arg10 : memref<128x128xf32, #tpu.memory_space<vmem>>) dst(%dma_wait3A_269 : memref<128x128xf32, #tpu.memory_space<hbm>>)
      } else {
      }
      %add3A_133 = arith.constant 3 : i32
      %add3A_134 = arith.addi %add3A_112, %add3A_133 : i32
      %lt3A_135 = arith.constant 200 : i32
      %lt3A_136 = arith.cmpi slt, %add3A_134, %lt3A_135 : i32
      %convert_element_type3A_137 = arith.extui %lt3A_136 : i1 to i32
      %cond3A_138 = arith.constant 0 : i32
      %cond3A_139 = arith.cmpi ne, %convert_element_type3A_137, %cond3A_138 : i32
      scf.if %cond3A_139 {
        %add3A_264 = arith.constant 3 : i32
        %add3A_265 = arith.addi %add3A_112, %add3A_264 : i32
        %dma_start3A_266 = arith.constant 0 : i32
        %dma_start3A_267 = tpu.memref_slice %arg5[%add3A_265, %dma_start3A_266] : memref<200x128xi32, #tpu.memory_space<vmem>> -> memref<1x128xi32, #tpu.memory_space<vmem>>
        %dma_start3A_268 = tpu.memref_squeeze %dma_start3A_267 : memref<1x128xi32, #tpu.memory_space<vmem>> -> memref<128xi32, #tpu.memory_space<vmem>>
        %dma_start3A_269 = arith.constant 0 : i32
        %dma_start3A_270 = arith.constant 0 : i32
        %dma_start3A_271 = tpu.memref_slice %arg3[%dma_start3A_269, %dma_start3A_270] : memref<1000000x128xf32, #tpu.memory_space<hbm>> -> memref<1000000x128xf32, #tpu.memory_space<hbm>>
        tpu.enqueue_indirect_dma source(%dma_start3A_271 : memref<1000000x128xf32, #tpu.memory_space<hbm>>) target(%arg10 : memref<128x128xf32, #tpu.memory_space<vmem>>) offsets(%dma_start3A_268 : memref<128xi32, #tpu.memory_space<vmem>>) semaphore(%arg16 : memref<!tpu.dma_semaphore, #tpu.memory_space<semaphore_mem>>)
      } else {
      }
      %mul3A_140 = arith.constant 6 : i32
      %mul3A_141 = arith.muli %mul3A_140, %scan3A_81 : i32
      %add3A_142 = arith.constant 2 : i32
      %add3A_143 = arith.addi %mul3A_141, %add3A_142 : i32
      %dma_wait3A_144 = arith.constant 0 : i32
      %dma_wait3A_145 = arith.constant 0 : i32
      %dma_wait3A_146 = tpu.memref_slice %arg3[%dma_wait3A_144, %dma_wait3A_145] : memref<1000000x128xf32, #tpu.memory_space<hbm>> -> memref<128x128xf32, #tpu.memory_space<hbm>>
      %dma_wait3A_147 = arith.constant 0 : i32
      %dma_wait3A_148 = arith.constant 0 : i32
      %dma_wait3A_149 = tpu.memref_slice %arg3[%dma_wait3A_147, %dma_wait3A_148] : memref<1000000x128xf32, #tpu.memory_space<hbm>> -> memref<128x128xf32, #tpu.memory_space<hbm>>
      tpu.wait_dma2 semaphore(%arg14 : memref<!tpu.dma_semaphore, #tpu.memory_space<semaphore_mem>>) src(%dma_wait3A_149 : memref<128x128xf32, #tpu.memory_space<hbm>>) dst(%arg8 : memref<128x128xf32, #tpu.memory_space<vmem>>)
      %mul3A_150 = arith.constant 128 : i32
      %mul3A_151 = arith.muli %add3A_143, %mul3A_150 : i32
      %add3A_152 = arith.addi %mul3A_2, %mul3A_151 : i32
      %dma_start3A_153 = arith.constant 0 : i32
      %dma_start3A_154 = tpu.memref_slice %arg4[%add3A_152, %dma_start3A_153] : memref<819200x128xf32, #tpu.memory_space<hbm>> -> memref<128x128xf32, #tpu.memory_space<hbm>>
      %dma_start3A_155 = arith.constant 0 : i32
      %dma_start3A_156 = tpu.memref_slice %arg4[%add3A_152, %dma_start3A_155] : memref<819200x128xf32, #tpu.memory_space<hbm>> -> memref<128x128xf32, #tpu.memory_space<hbm>>
      tpu.enqueue_dma source(%arg8 : memref<128x128xf32, #tpu.memory_space<vmem>>) target(%dma_start3A_156 : memref<128x128xf32, #tpu.memory_space<hbm>>) target_semaphore(%arg20 : memref<!tpu.dma_semaphore, #tpu.memory_space<semaphore_mem>>)
      %add3A_157 = arith.constant 3 : i32
      %add3A_158 = arith.addi %add3A_143, %add3A_157 : i32
      %ge3A_159 = arith.constant 6 : i32
      %ge3A_160 = arith.cmpi sge, %add3A_158, %ge3A_159 : i32
      %convert_element_type3A_161 = arith.extui %ge3A_160 : i1 to i32
      %cond3A_162 = arith.constant 0 : i32
      %cond3A_163 = arith.cmpi ne, %convert_element_type3A_161, %cond3A_162 : i32
      scf.if %cond3A_163 {
        %dma_wait3A_264 = arith.constant 0 : i32
        %dma_wait3A_265 = arith.constant 0 : i32
        %dma_wait3A_266 = tpu.memref_slice %arg4[%dma_wait3A_264, %dma_wait3A_265] : memref<819200x128xf32, #tpu.memory_space<hbm>> -> memref<128x128xf32, #tpu.memory_space<hbm>>
        %dma_wait3A_267 = arith.constant 0 : i32
        %dma_wait3A_268 = arith.constant 0 : i32
        %dma_wait3A_269 = tpu.memref_slice %arg4[%dma_wait3A_267, %dma_wait3A_268] : memref<819200x128xf32, #tpu.memory_space<hbm>> -> memref<128x128xf32, #tpu.memory_space<hbm>>
        tpu.wait_dma2 semaphore(%arg23 : memref<!tpu.dma_semaphore, #tpu.memory_space<semaphore_mem>>) src(%arg11 : memref<128x128xf32, #tpu.memory_space<vmem>>) dst(%dma_wait3A_269 : memref<128x128xf32, #tpu.memory_space<hbm>>)
      } else {
      }
      %add3A_164 = arith.constant 3 : i32
      %add3A_165 = arith.addi %add3A_143, %add3A_164 : i32
      %lt3A_166 = arith.constant 200 : i32
      %lt3A_167 = arith.cmpi slt, %add3A_165, %lt3A_166 : i32
      %convert_element_type3A_168 = arith.extui %lt3A_167 : i1 to i32
      %cond3A_169 = arith.constant 0 : i32
      %cond3A_170 = arith.cmpi ne, %convert_element_type3A_168, %cond3A_169 : i32
      scf.if %cond3A_170 {
        %add3A_264 = arith.constant 3 : i32
        %add3A_265 = arith.addi %add3A_143, %add3A_264 : i32
        %dma_start3A_266 = arith.constant 0 : i32
        %dma_start3A_267 = tpu.memref_slice %arg5[%add3A_265, %dma_start3A_266] : memref<200x128xi32, #tpu.memory_space<vmem>> -> memref<1x128xi32, #tpu.memory_space<vmem>>
        %dma_start3A_268 = tpu.memref_squeeze %dma_start3A_267 : memref<1x128xi32, #tpu.memory_space<vmem>> -> memref<128xi32, #tpu.memory_space<vmem>>
        %dma_start3A_269 = arith.constant 0 : i32
        %dma_start3A_270 = arith.constant 0 : i32
        %dma_start3A_271 = tpu.memref_slice %arg3[%dma_start3A_269, %dma_start3A_270] : memref<1000000x128xf32, #tpu.memory_space<hbm>> -> memref<1000000x128xf32, #tpu.memory_space<hbm>>
        tpu.enqueue_indirect_dma source(%dma_start3A_271 : memref<1000000x128xf32, #tpu.memory_space<hbm>>) target(%arg11 : memref<128x128xf32, #tpu.memory_space<vmem>>) offsets(%dma_start3A_268 : memref<128xi32, #tpu.memory_space<vmem>>) semaphore(%arg17 : memref<!tpu.dma_semaphore, #tpu.memory_space<semaphore_mem>>)
      } else {
      }
      %mul3A_171 = arith.constant 6 : i32
      %mul3A_172 = arith.muli %mul3A_171, %scan3A_81 : i32
      %add3A_173 = arith.constant 3 : i32
      %add3A_174 = arith.addi %mul3A_172, %add3A_173 : i32
      %dma_wait3A_175 = arith.constant 0 : i32
      %dma_wait3A_176 = arith.constant 0 : i32
      %dma_wait3A_177 = tpu.memref_slice %arg3[%dma_wait3A_175, %dma_wait3A_176] : memref<1000000x128xf32, #tpu.memory_space<hbm>> -> memref<128x128xf32, #tpu.memory_space<hbm>>
      %dma_wait3A_178 = arith.constant 0 : i32
      %dma_wait3A_179 = arith.constant 0 : i32
      %dma_wait3A_180 = tpu.memref_slice %arg3[%dma_wait3A_178, %dma_wait3A_179] : memref<1000000x128xf32, #tpu.memory_space<hbm>> -> memref<128x128xf32, #tpu.memory_space<hbm>>
      tpu.wait_dma2 semaphore(%arg15 : memref<!tpu.dma_semaphore, #tpu.memory_space<semaphore_mem>>) src(%dma_wait3A_180 : memref<128x128xf32, #tpu.memory_space<hbm>>) dst(%arg9 : memref<128x128xf32, #tpu.memory_space<vmem>>)
      %mul3A_181 = arith.constant 128 : i32
      %mul3A_182 = arith.muli %add3A_174, %mul3A_181 : i32
      %add3A_183 = arith.addi %mul3A_2, %mul3A_182 : i32
      %dma_start3A_184 = arith.constant 0 : i32
      %dma_start3A_185 = tpu.memref_slice %arg4[%add3A_183, %dma_start3A_184] : memref<819200x128xf32, #tpu.memory_space<hbm>> -> memref<128x128xf32, #tpu.memory_space<hbm>>
      %dma_start3A_186 = arith.constant 0 : i32
      %dma_start3A_187 = tpu.memref_slice %arg4[%add3A_183, %dma_start3A_186] : memref<819200x128xf32, #tpu.memory_space<hbm>> -> memref<128x128xf32, #tpu.memory_space<hbm>>
      tpu.enqueue_dma source(%arg9 : memref<128x128xf32, #tpu.memory_space<vmem>>) target(%dma_start3A_187 : memref<128x128xf32, #tpu.memory_space<hbm>>) target_semaphore(%arg21 : memref<!tpu.dma_semaphore, #tpu.memory_space<semaphore_mem>>)
      %add3A_188 = arith.constant 3 : i32
      %add3A_189 = arith.addi %add3A_174, %add3A_188 : i32
      %ge3A_190 = arith.constant 6 : i32
      %ge3A_191 = arith.cmpi sge, %add3A_189, %ge3A_190 : i32
      %convert_element_type3A_192 = arith.extui %ge3A_191 : i1 to i32
      %cond3A_193 = arith.constant 0 : i32
      %cond3A_194 = arith.cmpi ne, %convert_element_type3A_192, %cond3A_193 : i32
      scf.if %cond3A_194 {
        %dma_wait3A_264 = arith.constant 0 : i32
        %dma_wait3A_265 = arith.constant 0 : i32
        %dma_wait3A_266 = tpu.memref_slice %arg4[%dma_wait3A_264, %dma_wait3A_265] : memref<819200x128xf32, #tpu.memory_space<hbm>> -> memref<128x128xf32, #tpu.memory_space<hbm>>
        %dma_wait3A_267 = arith.constant 0 : i32
        %dma_wait3A_268 = arith.constant 0 : i32
        %dma_wait3A_269 = tpu.memref_slice %arg4[%dma_wait3A_267, %dma_wait3A_268] : memref<819200x128xf32, #tpu.memory_space<hbm>> -> memref<128x128xf32, #tpu.memory_space<hbm>>
        tpu.wait_dma2 semaphore(%arg18 : memref<!tpu.dma_semaphore, #tpu.memory_space<semaphore_mem>>) src(%arg6 : memref<128x128xf32, #tpu.memory_space<vmem>>) dst(%dma_wait3A_269 : memref<128x128xf32, #tpu.memory_space<hbm>>)
      } else {
      }
      %add3A_195 = arith.constant 3 : i32
      %add3A_196 = arith.addi %add3A_174, %add3A_195 : i32
      %lt3A_197 = arith.constant 200 : i32
      %lt3A_198 = arith.cmpi slt, %add3A_196, %lt3A_197 : i32
      %convert_element_type3A_199 = arith.extui %lt3A_198 : i1 to i32
      %cond3A_200 = arith.constant 0 : i32
      %cond3A_201 = arith.cmpi ne, %convert_element_type3A_199, %cond3A_200 : i32
      scf.if %cond3A_201 {
        %add3A_264 = arith.constant 3 : i32
        %add3A_265 = arith.addi %add3A_174, %add3A_264 : i32
        %dma_start3A_266 = arith.constant 0 : i32
        %dma_start3A_267 = tpu.memref_slice %arg5[%add3A_265, %dma_start3A_266] : memref<200x128xi32, #tpu.memory_space<vmem>> -> memref<1x128xi32, #tpu.memory_space<vmem>>
        %dma_start3A_268 = tpu.memref_squeeze %dma_start3A_267 : memref<1x128xi32, #tpu.memory_space<vmem>> -> memref<128xi32, #tpu.memory_space<vmem>>
        %dma_start3A_269 = arith.constant 0 : i32
        %dma_start3A_270 = arith.constant 0 : i32
        %dma_start3A_271 = tpu.memref_slice %arg3[%dma_start3A_269, %dma_start3A_270] : memref<1000000x128xf32, #tpu.memory_space<hbm>> -> memref<1000000x128xf32, #tpu.memory_space<hbm>>
        tpu.enqueue_indirect_dma source(%dma_start3A_271 : memref<1000000x128xf32, #tpu.memory_space<hbm>>) target(%arg6 : memref<128x128xf32, #tpu.memory_space<vmem>>) offsets(%dma_start3A_268 : memref<128xi32, #tpu.memory_space<vmem>>) semaphore(%arg12 : memref<!tpu.dma_semaphore, #tpu.memory_space<semaphore_mem>>)
      } else {
      }
      %mul3A_202 = arith.constant 6 : i32
      %mul3A_203 = arith.muli %mul3A_202, %scan3A_81 : i32
      %add3A_204 = arith.constant 4 : i32
      %add3A_205 = arith.addi %mul3A_203, %add3A_204 : i32
      %dma_wait3A_206 = arith.constant 0 : i32
      %dma_wait3A_207 = arith.constant 0 : i32
      %dma_wait3A_208 = tpu.memref_slice %arg3[%dma_wait3A_206, %dma_wait3A_207] : memref<1000000x128xf32, #tpu.memory_space<hbm>> -> memref<128x128xf32, #tpu.memory_space<hbm>>
      %dma_wait3A_209 = arith.constant 0 : i32
      %dma_wait3A_210 = arith.constant 0 : i32
      %dma_wait3A_211 = tpu.memref_slice %arg3[%dma_wait3A_209, %dma_wait3A_210] : memref<1000000x128xf32, #tpu.memory_space<hbm>> -> memref<128x128xf32, #tpu.memory_space<hbm>>
      tpu.wait_dma2 semaphore(%arg16 : memref<!tpu.dma_semaphore, #tpu.memory_space<semaphore_mem>>) src(%dma_wait3A_211 : memref<128x128xf32, #tpu.memory_space<hbm>>) dst(%arg10 : memref<128x128xf32, #tpu.memory_space<vmem>>)
      %mul3A_212 = arith.constant 128 : i32
      %mul3A_213 = arith.muli %add3A_205, %mul3A_212 : i32
      %add3A_214 = arith.addi %mul3A_2, %mul3A_213 : i32
      %dma_start3A_215 = arith.constant 0 : i32
      %dma_start3A_216 = tpu.memref_slice %arg4[%add3A_214, %dma_start3A_215] : memref<819200x128xf32, #tpu.memory_space<hbm>> -> memref<128x128xf32, #tpu.memory_space<hbm>>
      %dma_start3A_217 = arith.constant 0 : i32
      %dma_start3A_218 = tpu.memref_slice %arg4[%add3A_214, %dma_start3A_217] : memref<819200x128xf32, #tpu.memory_space<hbm>> -> memref<128x128xf32, #tpu.memory_space<hbm>>
      tpu.enqueue_dma source(%arg10 : memref<128x128xf32, #tpu.memory_space<vmem>>) target(%dma_start3A_218 : memref<128x128xf32, #tpu.memory_space<hbm>>) target_semaphore(%arg22 : memref<!tpu.dma_semaphore, #tpu.memory_space<semaphore_mem>>)
      %add3A_219 = arith.constant 3 : i32
      %add3A_220 = arith.addi %add3A_205, %add3A_219 : i32
      %ge3A_221 = arith.constant 6 : i32
      %ge3A_222 = arith.cmpi sge, %add3A_220, %ge3A_221 : i32
      %convert_element_type3A_223 = arith.extui %ge3A_222 : i1 to i32
      %cond3A_224 = arith.constant 0 : i32
      %cond3A_225 = arith.cmpi ne, %convert_element_type3A_223, %cond3A_224 : i32
      scf.if %cond3A_225 {
        %dma_wait3A_264 = arith.constant 0 : i32
        %dma_wait3A_265 = arith.constant 0 : i32
        %dma_wait3A_266 = tpu.memref_slice %arg4[%dma_wait3A_264, %dma_wait3A_265] : memref<819200x128xf32, #tpu.memory_space<hbm>> -> memref<128x128xf32, #tpu.memory_space<hbm>>
        %dma_wait3A_267 = arith.constant 0 : i32
        %dma_wait3A_268 = arith.constant 0 : i32
        %dma_wait3A_269 = tpu.memref_slice %arg4[%dma_wait3A_267, %dma_wait3A_268] : memref<819200x128xf32, #tpu.memory_space<hbm>> -> memref<128x128xf32, #tpu.memory_space<hbm>>
        tpu.wait_dma2 semaphore(%arg19 : memref<!tpu.dma_semaphore, #tpu.memory_space<semaphore_mem>>) src(%arg7 : memref<128x128xf32, #tpu.memory_space<vmem>>) dst(%dma_wait3A_269 : memref<128x128xf32, #tpu.memory_space<hbm>>)
      } else {
      }
      %add3A_226 = arith.constant 3 : i32
      %add3A_227 = arith.addi %add3A_205, %add3A_226 : i32
      %lt3A_228 = arith.constant 200 : i32
      %lt3A_229 = arith.cmpi slt, %add3A_227, %lt3A_228 : i32
      %convert_element_type3A_230 = arith.extui %lt3A_229 : i1 to i32
      %cond3A_231 = arith.constant 0 : i32
      %cond3A_232 = arith.cmpi ne, %convert_element_type3A_230, %cond3A_231 : i32
      scf.if %cond3A_232 {
        %add3A_264 = arith.constant 3 : i32
        %add3A_265 = arith.addi %add3A_205, %add3A_264 : i32
        %dma_start3A_266 = arith.constant 0 : i32
        %dma_start3A_267 = tpu.memref_slice %arg5[%add3A_265, %dma_start3A_266] : memref<200x128xi32, #tpu.memory_space<vmem>> -> memref<1x128xi32, #tpu.memory_space<vmem>>
        %dma_start3A_268 = tpu.memref_squeeze %dma_start3A_267 : memref<1x128xi32, #tpu.memory_space<vmem>> -> memref<128xi32, #tpu.memory_space<vmem>>
        %dma_start3A_269 = arith.constant 0 : i32
        %dma_start3A_270 = arith.constant 0 : i32
        %dma_start3A_271 = tpu.memref_slice %arg3[%dma_start3A_269, %dma_start3A_270] : memref<1000000x128xf32, #tpu.memory_space<hbm>> -> memref<1000000x128xf32, #tpu.memory_space<hbm>>
        tpu.enqueue_indirect_dma source(%dma_start3A_271 : memref<1000000x128xf32, #tpu.memory_space<hbm>>) target(%arg7 : memref<128x128xf32, #tpu.memory_space<vmem>>) offsets(%dma_start3A_268 : memref<128xi32, #tpu.memory_space<vmem>>) semaphore(%arg13 : memref<!tpu.dma_semaphore, #tpu.memory_space<semaphore_mem>>)
      } else {
      }
      %mul3A_233 = arith.constant 6 : i32
      %mul3A_234 = arith.muli %mul3A_233, %scan3A_81 : i32
      %add3A_235 = arith.constant 5 : i32
      %add3A_236 = arith.addi %mul3A_234, %add3A_235 : i32
      %dma_wait3A_237 = arith.constant 0 : i32
      %dma_wait3A_238 = arith.constant 0 : i32
      %dma_wait3A_239 = tpu.memref_slice %arg3[%dma_wait3A_237, %dma_wait3A_238] : memref<1000000x128xf32, #tpu.memory_space<hbm>> -> memref<128x128xf32, #tpu.memory_space<hbm>>
      %dma_wait3A_240 = arith.constant 0 : i32
      %dma_wait3A_241 = arith.constant 0 : i32
      %dma_wait3A_242 = tpu.memref_slice %arg3[%dma_wait3A_240, %dma_wait3A_241] : memref<1000000x128xf32, #tpu.memory_space<hbm>> -> memref<128x128xf32, #tpu.memory_space<hbm>>
      tpu.wait_dma2 semaphore(%arg17 : memref<!tpu.dma_semaphore, #tpu.memory_space<semaphore_mem>>) src(%dma_wait3A_242 : memref<128x128xf32, #tpu.memory_space<hbm>>) dst(%arg11 : memref<128x128xf32, #tpu.memory_space<vmem>>)
      %mul3A_243 = arith.constant 128 : i32
      %mul3A_244 = arith.muli %add3A_236, %mul3A_243 : i32
      %add3A_245 = arith.addi %mul3A_2, %mul3A_244 : i32
      %dma_start3A_246 = arith.constant 0 : i32
      %dma_start3A_247 = tpu.memref_slice %arg4[%add3A_245, %dma_start3A_246] : memref<819200x128xf32, #tpu.memory_space<hbm>> -> memref<128x128xf32, #tpu.memory_space<hbm>>
      %dma_start3A_248 = arith.constant 0 : i32
      %dma_start3A_249 = tpu.memref_slice %arg4[%add3A_245, %dma_start3A_248] : memref<819200x128xf32, #tpu.memory_space<hbm>> -> memref<128x128xf32, #tpu.memory_space<hbm>>
      tpu.enqueue_dma source(%arg11 : memref<128x128xf32, #tpu.memory_space<vmem>>) target(%dma_start3A_249 : memref<128x128xf32, #tpu.memory_space<hbm>>) target_semaphore(%arg23 : memref<!tpu.dma_semaphore, #tpu.memory_space<semaphore_mem>>)
      %add3A_250 = arith.constant 3 : i32
      %add3A_251 = arith.addi %add3A_236, %add3A_250 : i32
      %ge3A_252 = arith.constant 6 : i32
      %ge3A_253 = arith.cmpi sge, %add3A_251, %ge3A_252 : i32
      %convert_element_type3A_254 = arith.extui %ge3A_253 : i1 to i32
      %cond3A_255 = arith.constant 0 : i32
      %cond3A_256 = arith.cmpi ne, %convert_element_type3A_254, %cond3A_255 : i32
      scf.if %cond3A_256 {
        %dma_wait3A_264 = arith.constant 0 : i32
        %dma_wait3A_265 = arith.constant 0 : i32
        %dma_wait3A_266 = tpu.memref_slice %arg4[%dma_wait3A_264, %dma_wait3A_265] : memref<819200x128xf32, #tpu.memory_space<hbm>> -> memref<128x128xf32, #tpu.memory_space<hbm>>
        %dma_wait3A_267 = arith.constant 0 : i32
        %dma_wait3A_268 = arith.constant 0 : i32
        %dma_wait3A_269 = tpu.memref_slice %arg4[%dma_wait3A_267, %dma_wait3A_268] : memref<819200x128xf32, #tpu.memory_space<hbm>> -> memref<128x128xf32, #tpu.memory_space<hbm>>
        tpu.wait_dma2 semaphore(%arg20 : memref<!tpu.dma_semaphore, #tpu.memory_space<semaphore_mem>>) src(%arg8 : memref<128x128xf32, #tpu.memory_space<vmem>>) dst(%dma_wait3A_269 : memref<128x128xf32, #tpu.memory_space<hbm>>)
      } else {
      }
      %add3A_257 = arith.constant 3 : i32
      %add3A_258 = arith.addi %add3A_236, %add3A_257 : i32
      %lt3A_259 = arith.constant 200 : i32
      %lt3A_260 = arith.cmpi slt, %add3A_258, %lt3A_259 : i32
      %convert_element_type3A_261 = arith.extui %lt3A_260 : i1 to i32
      %cond3A_262 = arith.constant 0 : i32
      %cond3A_263 = arith.cmpi ne, %convert_element_type3A_261, %cond3A_262 : i32
      scf.if %cond3A_263 {
        %add3A_264 = arith.constant 3 : i32
        %add3A_265 = arith.addi %add3A_236, %add3A_264 : i32
        %dma_start3A_266 = arith.constant 0 : i32
        %dma_start3A_267 = tpu.memref_slice %arg5[%add3A_265, %dma_start3A_266] : memref<200x128xi32, #tpu.memory_space<vmem>> -> memref<1x128xi32, #tpu.memory_space<vmem>>
        %dma_start3A_268 = tpu.memref_squeeze %dma_start3A_267 : memref<1x128xi32, #tpu.memory_space<vmem>> -> memref<128xi32, #tpu.memory_space<vmem>>
        %dma_start3A_269 = arith.constant 0 : i32
        %dma_start3A_270 = arith.constant 0 : i32
        %dma_start3A_271 = tpu.memref_slice %arg3[%dma_start3A_269, %dma_start3A_270] : memref<1000000x128xf32, #tpu.memory_space<hbm>> -> memref<1000000x128xf32, #tpu.memory_space<hbm>>
        tpu.enqueue_indirect_dma source(%dma_start3A_271 : memref<1000000x128xf32, #tpu.memory_space<hbm>>) target(%arg8 : memref<128x128xf32, #tpu.memory_space<vmem>>) offsets(%dma_start3A_268 : memref<128xi32, #tpu.memory_space<vmem>>) semaphore(%arg14 : memref<!tpu.dma_semaphore, #tpu.memory_space<semaphore_mem>>)
      } else {
      }
    }
    %scan3A_27 = arith.constant 33 : i32
    %dma_wait3A = arith.constant 0 : i32
    %dma_wait3A_28 = arith.constant 0 : i32
    %dma_wait3A_29 = tpu.memref_slice %arg3[%dma_wait3A, %dma_wait3A_28] : memref<1000000x128xf32, #tpu.memory_space<hbm>> -> memref<128x128xf32, #tpu.memory_space<hbm>>
    %dma_wait3A_30 = arith.constant 0 : i32
    %dma_wait3A_31 = arith.constant 0 : i32
    %dma_wait3A_32 = tpu.memref_slice %arg3[%dma_wait3A_30, %dma_wait3A_31] : memref<1000000x128xf32, #tpu.memory_space<hbm>> -> memref<128x128xf32, #tpu.memory_space<hbm>>
    tpu.wait_dma2 semaphore(%arg12 : memref<!tpu.dma_semaphore, #tpu.memory_space<semaphore_mem>>) src(%dma_wait3A_32 : memref<128x128xf32, #tpu.memory_space<hbm>>) dst(%arg6 : memref<128x128xf32, #tpu.memory_space<vmem>>)
    %add3A_33 = arith.constant 25344 : i32
    %add3A_34 = arith.addi %mul3A_2, %add3A_33 : i32
    %dma_start3A_35 = arith.constant 0 : i32
    %dma_start3A_36 = tpu.memref_slice %arg4[%add3A_34, %dma_start3A_35] : memref<819200x128xf32, #tpu.memory_space<hbm>> -> memref<128x128xf32, #tpu.memory_space<hbm>>
    %dma_start3A_37 = arith.constant 0 : i32
    %dma_start3A_38 = tpu.memref_slice %arg4[%add3A_34, %dma_start3A_37] : memref<819200x128xf32, #tpu.memory_space<hbm>> -> memref<128x128xf32, #tpu.memory_space<hbm>>
    tpu.enqueue_dma source(%arg6 : memref<128x128xf32, #tpu.memory_space<vmem>>) target(%dma_start3A_38 : memref<128x128xf32, #tpu.memory_space<hbm>>) target_semaphore(%arg18 : memref<!tpu.dma_semaphore, #tpu.memory_space<semaphore_mem>>)
    %dma_wait3A_39 = arith.constant 0 : i32
    %dma_wait3A_40 = arith.constant 0 : i32
    %dma_wait3A_41 = tpu.memref_slice %arg4[%dma_wait3A_39, %dma_wait3A_40] : memref<819200x128xf32, #tpu.memory_space<hbm>> -> memref<128x128xf32, #tpu.memory_space<hbm>>
    %dma_wait3A_42 = arith.constant 0 : i32
    %dma_wait3A_43 = arith.constant 0 : i32
    %dma_wait3A_44 = tpu.memref_slice %arg4[%dma_wait3A_42, %dma_wait3A_43] : memref<819200x128xf32, #tpu.memory_space<hbm>> -> memref<128x128xf32, #tpu.memory_space<hbm>>
    tpu.wait_dma2 semaphore(%arg21 : memref<!tpu.dma_semaphore, #tpu.memory_space<semaphore_mem>>) src(%arg9 : memref<128x128xf32, #tpu.memory_space<vmem>>) dst(%dma_wait3A_44 : memref<128x128xf32, #tpu.memory_space<hbm>>)
    %dma_wait3A_45 = arith.constant 0 : i32
    %dma_wait3A_46 = arith.constant 0 : i32
    %dma_wait3A_47 = tpu.memref_slice %arg3[%dma_wait3A_45, %dma_wait3A_46] : memref<1000000x128xf32, #tpu.memory_space<hbm>> -> memref<128x128xf32, #tpu.memory_space<hbm>>
    %dma_wait3A_48 = arith.constant 0 : i32
    %dma_wait3A_49 = arith.constant 0 : i32
    %dma_wait3A_50 = tpu.memref_slice %arg3[%dma_wait3A_48, %dma_wait3A_49] : memref<1000000x128xf32, #tpu.memory_space<hbm>> -> memref<128x128xf32, #tpu.memory_space<hbm>>
    tpu.wait_dma2 semaphore(%arg13 : memref<!tpu.dma_semaphore, #tpu.memory_space<semaphore_mem>>) src(%dma_wait3A_50 : memref<128x128xf32, #tpu.memory_space<hbm>>) dst(%arg7 : memref<128x128xf32, #tpu.memory_space<vmem>>)
    %add3A_51 = arith.constant 25472 : i32
    %add3A_52 = arith.addi %mul3A_2, %add3A_51 : i32
    %dma_start3A_53 = arith.constant 0 : i32
    %dma_start3A_54 = tpu.memref_slice %arg4[%add3A_52, %dma_start3A_53] : memref<819200x128xf32, #tpu.memory_space<hbm>> -> memref<128x128xf32, #tpu.memory_space<hbm>>
    %dma_start3A_55 = arith.constant 0 : i32
    %dma_start3A_56 = tpu.memref_slice %arg4[%add3A_52, %dma_start3A_55] : memref<819200x128xf32, #tpu.memory_space<hbm>> -> memref<128x128xf32, #tpu.memory_space<hbm>>
    tpu.enqueue_dma source(%arg7 : memref<128x128xf32, #tpu.memory_space<vmem>>) target(%dma_start3A_56 : memref<128x128xf32, #tpu.memory_space<hbm>>) target_semaphore(%arg19 : memref<!tpu.dma_semaphore, #tpu.memory_space<semaphore_mem>>)
    %dma_wait3A_57 = arith.constant 0 : i32
    %dma_wait3A_58 = arith.constant 0 : i32
    %dma_wait3A_59 = tpu.memref_slice %arg4[%dma_wait3A_57, %dma_wait3A_58] : memref<819200x128xf32, #tpu.memory_space<hbm>> -> memref<128x128xf32, #tpu.memory_space<hbm>>
    %dma_wait3A_60 = arith.constant 0 : i32
    %dma_wait3A_61 = arith.constant 0 : i32
    %dma_wait3A_62 = tpu.memref_slice %arg4[%dma_wait3A_60, %dma_wait3A_61] : memref<819200x128xf32, #tpu.memory_space<hbm>> -> memref<128x128xf32, #tpu.memory_space<hbm>>
    tpu.wait_dma2 semaphore(%arg22 : memref<!tpu.dma_semaphore, #tpu.memory_space<semaphore_mem>>) src(%arg10 : memref<128x128xf32, #tpu.memory_space<vmem>>) dst(%dma_wait3A_62 : memref<128x128xf32, #tpu.memory_space<hbm>>)
    %dma_wait3A_63 = arith.constant 0 : i32
    %dma_wait3A_64 = arith.constant 0 : i32
    %dma_wait3A_65 = tpu.memref_slice %arg4[%dma_wait3A_63, %dma_wait3A_64] : memref<819200x128xf32, #tpu.memory_space<hbm>> -> memref<128x128xf32, #tpu.memory_space<hbm>>
    %dma_wait3A_66 = arith.constant 0 : i32
    %dma_wait3A_67 = arith.constant 0 : i32
    %dma_wait3A_68 = tpu.memref_slice %arg4[%dma_wait3A_66, %dma_wait3A_67] : memref<819200x128xf32, #tpu.memory_space<hbm>> -> memref<128x128xf32, #tpu.memory_space<hbm>>
    tpu.wait_dma2 semaphore(%arg23 : memref<!tpu.dma_semaphore, #tpu.memory_space<semaphore_mem>>) src(%arg11 : memref<128x128xf32, #tpu.memory_space<vmem>>) dst(%dma_wait3A_68 : memref<128x128xf32, #tpu.memory_space<hbm>>)
    %dma_wait3A_69 = arith.constant 0 : i32
    %dma_wait3A_70 = arith.constant 0 : i32
    %dma_wait3A_71 = tpu.memref_slice %arg4[%dma_wait3A_69, %dma_wait3A_70] : memref<819200x128xf32, #tpu.memory_space<hbm>> -> memref<128x128xf32, #tpu.memory_space<hbm>>
    %dma_wait3A_72 = arith.constant 0 : i32
    %dma_wait3A_73 = arith.constant 0 : i32
    %dma_wait3A_74 = tpu.memref_slice %arg4[%dma_wait3A_72, %dma_wait3A_73] : memref<819200x128xf32, #tpu.memory_space<hbm>> -> memref<128x128xf32, #tpu.memory_space<hbm>>
    tpu.wait_dma2 semaphore(%arg18 : memref<!tpu.dma_semaphore, #tpu.memory_space<semaphore_mem>>) src(%arg6 : memref<128x128xf32, #tpu.memory_space<vmem>>) dst(%dma_wait3A_74 : memref<128x128xf32, #tpu.memory_space<hbm>>)
    %dma_wait3A_75 = arith.constant 0 : i32
    %dma_wait3A_76 = arith.constant 0 : i32
    %dma_wait3A_77 = tpu.memref_slice %arg4[%dma_wait3A_75, %dma_wait3A_76] : memref<819200x128xf32, #tpu.memory_space<hbm>> -> memref<128x128xf32, #tpu.memory_space<hbm>>
    %dma_wait3A_78 = arith.constant 0 : i32
    %dma_wait3A_79 = arith.constant 0 : i32
    %dma_wait3A_80 = tpu.memref_slice %arg4[%dma_wait3A_78, %dma_wait3A_79] : memref<819200x128xf32, #tpu.memory_space<hbm>> -> memref<128x128xf32, #tpu.memory_space<hbm>>
    tpu.wait_dma2 semaphore(%arg19 : memref<!tpu.dma_semaphore, #tpu.memory_space<semaphore_mem>>) src(%arg7 : memref<128x128xf32, #tpu.memory_space<vmem>>) dst(%dma_wait3A_80 : memref<128x128xf32, #tpu.memory_space<hbm>>)
    return
  }
}

</mosaic_0001>

<sc_bundles>
// kernel: _emb.3.cloned.1.call-start
scs
__scs_entry_jumppad:
0x0: {  	(pc) =	sbr.rel $0x88, $3  }
0x1: {  	(tag) =	ssettag $0x0;
	lr =	simm.s32 $0x1  }
0x2: {  	[smem:$0x3F9F] =	sst lr;
	_ =	strace $0xD0000000  }
0x3: {  	_ = 	snop  }
0x4: {  	_ = 	snop  }
0x5: {  	_ = 	snop  }
0x6: {  	_ = 	snop  }
0x7: {  	_ = 	snop  }
__scs_overlays_trampoline_lowered:
0x8: {  	[smem:$0x3FAE] =	sst s0  }
0x9: {  	[smem:$0x3FAF] =	sst s1  }
0xa: {  	[smem:$0x3FB0] =	sst s2  }
0xb: {  	[smem:$0x3FB1] =	sst s3  }
0xc: {  	[smem:$0x3FB2] =	sst s4  }
0xd: {  	[smem:$0x3FB3] =	sst s5  }
0xe: {  	[smem:$0x3FB4] =	sst s6  }
0xf: {  	[smem:$0x3FB5] =	sst s7  }
0x10: {  	[smem:$0x3FB6] =	sst s8  }
0x11: {  	[smem:$0x3FB7] =	sst s9;
	s0 =	simm.s32 @!p0 $0x0  }
0x12: {  	s1 =	sld [smem:$0x3F9D];
	s0 =	simm.s32 @p0 $0x1  }
0x13: {  	[smem:$0x3FB8] =	sst s0;
	s0 =	simm.s32 @!p1 $0x0  }
0x14: {  	s2 =	sld [smem:$0x3F9C];
	s0 =	simm.s32 @p1 $0x1  }
0x15: {  	[smem:$0x3FB9] =	sst s0;
	s0 =	simm.s32 @!p2 $0x0  }
0x16: {  	s3 =	sld [smem:$0x3FDB];
	s0 =	simm.s32 @p2 $0x1  }
0x17: {  	s4 =	simm.s32 $0x1BF5;
	[smem:$0x3FBB] =	sst s0  }
0x18: {  	s0 =	sld [smem:$0x3F9E];
	_ =	swait.ge [sflag:s4], $0x0  }
0x19: {  	s7 =	sld [smem:$0x3F9F]  }
0x1a: {  	s8 =	sadd.s32 $0xFFFFE003, lr  }
0x1b: {  	s9 =	sadd.s32 $0xFFFFFEF7, lr;
	s5 =	simm.s32 $0xFFFFFFFF;
	p2 =	slt.u32 s8, $0xFFFFF086  }
0x1c: {  	p1 =	slt.u32 s9, $0xF7A;
	s5 =	simm.s32 @!p2 $0x0  }
0x1d: {  	s5 =	simm.s32 @p1 $0x1;
	p0 =	seq.s32 s7, s2  }
0x1e: {  	s7 =	smul.u32 @!p0 $0xF7A, s2;
	p2 =	seq.s32 @!p0 s5, $0x0  }
0x1f: {  	s9 =	smul.u32 $0xF7A, s1;
	s8 =	simm.s32 @!p0 $0x1BF5;
	p2 =	por !p2, p0  }
0x20: {  	[sflag:s8] =	ssyncset.s32 @!p0 $0xFFFFF086;
	s6 =	sadd.s32 @!p0 s3, s7;
	s7 =	simm.s32 @!p0 $0x108  }
0x21: {  	s3 =	sadd.s32 s3, s9;
	s6 =	sadd.s32 @!p0 $0x88, s6;
	s7 =	simm.s32 @p2 $0x1082  }
0x22: {  	[simem:s7], [sflag:s8] =	dma.local @!p0 [hbm:s6], $0xF7A  }
0x23: {  	s9 =	sor.u32 $0xD0000000, s2;
	s6 =	simm.s32 $0x108;
	_ =	swait.ge @!p0 [sflag:s8], $0x0  }
0x24: {  	s3 =	sadd.s32 $0x88, s3;
	s6 =	simm.s32 @!p1 $0x1082;
	[sflag:s4] =	ssyncset.s32 $0xFFFFF086  }
0x25: {  	[simem:s6], [sflag:s4] =	dma.local [hbm:s3], $0xF7A  }
0x26: {  	[smem:$0x3F9F] =	sst s1;
	(tag) =	ssettag s2;
	_ =	strace s9  }
0x27: {  	s1 =	sld [smem:$0x3FAF]  }
0x28: {  	s2 =	sld [smem:$0x3FB0]  }
0x29: {  	s4 =	sld [smem:$0x3FB2]  }
0x2a: {  	p0 =	seq.s32 s5, $0x0;
	s5 =	sld [smem:$0x3FB3]  }
0x2b: {  	s6 =	sld [smem:$0x3FB4]  }
0x2c: {  	s7 =	sld [smem:$0x3FB5]  }
0x2d: {  	s3 =	simm.s32 $0x108;
	s8 =	sld [smem:$0x3FB6]  }
0x2e: {  	s3 =	simm.s32 @!p0 $0x1082;
	s9 =	sld [smem:$0x3FB7]  }
0x2f: {  	lr =	sadd.s32 s0, s3;
	s0 =	sld [smem:$0x3FAE]  }
0x30: {  	s3 =	sld [smem:$0x3FB1]  }
0x31: {  	[smem:$0x3FBA] =	sst s10  }
0x32: {  	s10 =	sld [smem:$0x3FB8];
	_ =	sdelay $0x3  }
0x33: {  	p0 =	seq.s32 s10, $0x1;
	s10 =	sld [smem:$0x3FBA];
	_ =	sdelay $0x3  }
0x34: {  	[smem:$0x3FBA] =	sst s10  }
0x35: {  	s10 =	sld [smem:$0x3FB9];
	_ =	sdelay $0x3  }
0x36: {  	p1 =	seq.s32 s10, $0x1;
	s10 =	sld [smem:$0x3FBA];
	_ =	sdelay $0x3  }
0x37: {  	[smem:$0x3FBA] =	sst s10  }
0x38: {  	s10 =	sld [smem:$0x3FBB]  }
0x39: {  	_ = 	snop;
	(pc) =	sbr.ind lr, $3  }
0x3a: {  	_ = 	snop  }
0x3b: {  	_ = 	snop  }
0x3c: {  	p2 =	seq.s32 s10, $0x1;
	s10 =	sld [smem:$0x3FBA]  }
0x3d: {  	_ =	shalt  }
0x3e: {  	_ =	shalt  }
0x3f: {  	_ =	shalt  }
0x40: {  	_ =	shalt  }
0x41: {  	_ =	shalt  }
0x42: {  	_ =	shalt  }
0x43: {  	_ =	shalt  }
0x44: {  	_ =	shalt  }
0x45: {  	_ =	shalt  }
0x46: {  	_ =	shalt  }
0x47: {  	_ =	shalt  }
0x48: {  	_ =	shalt  }
0x49: {  	_ =	shalt  }
0x4a: {  	_ =	shalt  }
0x4b: {  	_ =	shalt  }
0x4c: {  	_ =	shalt  }
0x4d: {  	_ =	shalt  }
0x4e: {  	_ =	shalt  }
0x4f: {  	_ =	shalt  }
0x50: {  	_ =	shalt  }
0x51: {  	_ =	shalt  }
0x52: {  	_ =	shalt  }
0x53: {  	_ =	shalt  }
0x54: {  	_ =	shalt  }
0x55: {  	_ =	shalt  }
0x56: {  	_ =	shalt  }
0x57: {  	_ =	shalt  }
0x58: {  	_ =	shalt  }
0x59: {  	_ =	shalt  }
0x5a: {  	_ =	shalt  }
0x5b: {  	_ =	shalt  }
0x5c: {  	_ =	shalt  }
0x5d: {  	_ =	shalt  }
0x5e: {  	_ =	shalt  }
0x5f: {  	_ =	shalt  }
0x60: {  	_ =	shalt  }
0x61: {  	_ =	shalt  }
0x62: {  	_ =	shalt  }
0x63: {  	_ =	shalt  }
0x64: {  	_ =	shalt  }
0x65: {  	_ =	shalt  }
0x66: {  	_ =	shalt  }
0x67: {  	_ =	shalt  }
0x68: {  	_ =	shalt  }
0x69: {  	_ =	shalt  }
0x6a: {  	_ =	shalt  }
0x6b: {  	_ =	shalt  }
0x6c: {  	_ =	shalt  }
0x6d: {  	_ =	shalt  }
0x6e: {  	_ =	shalt  }
0x6f: {  	_ =	shalt  }
0x70: {  	_ =	shalt  }
0x71: {  	_ =	shalt  }
0x72: {  	_ =	shalt  }
0x73: {  	_ =	shalt  }
0x74: {  	_ =	shalt  }
0x75: {  	_ =	shalt  }
0x76: {  	_ =	shalt  }
0x77: {  	_ =	shalt  }
0x78: {  	_ =	shalt  }
0x79: {  	_ =	shalt  }
0x7a: {  	_ =	shalt  }
0x7b: {  	_ =	shalt  }
0x7c: {  	_ =	shalt  }
0x7d: {  	_ =	shalt  }
0x7e: {  	_ =	shalt  }
0x7f: {  	_ =	shalt  }
0x80: {  	_ =	shalt  }
0x81: {  	_ =	shalt  }
0x82: {  	_ =	shalt  }
0x83: {  	_ =	shalt  }
0x84: {  	_ =	shalt  }
0x85: {  	_ =	shalt  }
0x86: {  	_ =	shalt  }
0x87: {  	_ =	shalt  }
.Lfunc_end0:
.L_simem_size_0:
called_computation_lowered:
.L_overlay_start_0:
0x88: {  	s2 =	sld [smem:$0x3FD9]  }
0x89: {  	s3 =	sld [smem:$0x3FFE];
	_ =	sdelay $0x1  }
0x8a: {  	s1 =	srdreg.scid  }
0x8b: {  	s0 =	sand.u32 $0x1, s1  }
0x8c: {  	s18 =	sshll.u32 s0, $0xA;
	s2 =	sadd.s32 s3, s2  }
0x8d: {  	s2 =	sadd.s32 s2, s18  }
0x8e: {  	[smem:$0x3FC6] =	sst s2  }
0x8f: {  	_ = 	snop  }
0x90: {  	s2 =	sld [smem:$0x3FC9]  }
0x91: {  	s19 =	sld [smem:$0x3FC8]  }
0x92: {  	s4 =	sld [smem:$0x3FD0];
	(tm) =	ssettm $0x1  }
0x93: {  	s5 =	sld [smem:$0x3FFB];
	_ =	sdelay $0x3  }
0x94: {  	_ =	strace s5  }
0x95: {  	s5 =	sld [smem:$0x3FFC];
	_ =	sdelay $0x3  }
0x96: {  	_ =	strace s5  }
0x97: {  	s5 =	sld [smem:$0x3FFD];
	_ =	sdelay $0x3  }
0x98: {  	_ =	strace s5  }
0x99: {  	_ =	strace $0x8FFFFFFF  }
0x9a: {  	s20 =	sld [smem:$0x3FDB];
	_ =	sdelay $0x1  }
0x9b: {  	s6 =	simm.s32 $_scs_section_size  }
0x9c: {  	s7 =	simm.s32 $_size__tile_overlayer_lowered;
	s8 =	simm.s32 $_tile_overlayer_lowered  }
0x9d: {  	s23 =	simm.s32 $0x1BFF;
	s22 =	sshll.u32 s8, $0x1;
	s5 =	sadd.s32 s6, s20  }
0x9e: {  	s9 =	simm.s32 $0x0;
	s21 =	sshll.u32 s7, $0x1;
	s7 =	sadd.s32 s22, s5  }
0x9f: {  	[timem:s9], [sflag:s23] =	dma.local [hbm:s7], s21  }
0xa0: {  	_ =	swait.ge [sflag:s23], s21  }
0xa1: {  	s6 =	ssub.s32 $0x0, s21;
	[sflag:s23] =	ssyncset.done $0x0  }
0xa2: {  	[sflag:s23] =	ssyncadd.s32 s6;
	_ =	sdelay $0x1  }
0xa3: {  	s24 =	simm.s32 $0x1B8B  }
0xa4: {  	_ =	swait.ge [sflag:s24], $0x1  }
0xa5: {  	[sflag:s24] =	ssyncset.done $0x0  }
0xa6: {  	s25 =	simm.s32 $0x1B8E;
	[sflag:s24] =	ssyncadd.s32 $0xFFFFFFFF  }
0xa7: {  	s26 =	simm.s32 $execute0_lowered;
	[smem:$0x3FD2] =	sst s25  }
0xa8: {  	s6 =	sshll.u32 s26, $0x1;
	_ =	strace $0x80000046;
	[dreg:$0x1] =	wrdreg $0xFFFFFFFF  }
0xa9: {  	s28 =	simm.s32 $_size_execute0_lowered;
	s5 =	sadd.s32 s5, s6;
	[dreg:$0x0] =	wrdreg $0x0  }
0xaa: {  	s6 =	sshll.u32 s28, $0x1;
	[dreg:$0x2] =	wrdreg s5  }
0xab: {  	[dreg:$0x3] =	wrdreg s6  }
0xac: {  	[dreg:$0x4] =	wrdreg $0xC0  }
0xad: {  	_ =	task [dreg:s9], $0x5FFFF  }
0xae: {  	[dreg:$0x1] =	wrdreg $0xFFFFFFFF  }
0xaf: {  	[dreg:$0x0] =	wrdreg $0x60  }
0xb0: {  	[dreg:$0x2] =	wrdreg s2  }
0xb1: {  	[dreg:$0x3] =	wrdreg s19  }
0xb2: {  	[dreg:$0x4] =	wrdreg s4  }
0xb3: {  	[dreg:$0x5] =	wrdreg $0x9  }
0xb4: {  	_ =	task.clear_ibuf [dreg:s9], $0x6FFFF;
	_ =	strace $0x90000046  }
0xb5: {  	s29 =	simm.s32 $0x9;
	_ =	strace $0x80000048  }
0xb6: {  	_ =	swait.ge [sflag:s29], $0x1  }
0xb7: {  	[sflag:s29] =	ssyncadd.s32 $0xFFFFFFFF  }
0xb8: {  	_ =	strace $0x90000048  }
0xb9: {  	_ =	sfence  }
0xba: {  	s30 =	sld [smem:$0x0];
	_ =	sdelay $0x2  }
0xbb: {  	s31 =	sshll.u32 s1, $0xD;
	s1 =	sshrl.u32 s1, $0x2  }
0xbc: {  	s3 =	sand.u32 $0x4000, s31;
	s1 =	sadd.s32 s1, s30  }
0xbd: {  	s0 =	sor.u32 s3, s0;
	s1 =	sshll.u32 s1, $0x11  }
0xbe: {  	s0 =	sor.u32 s1, s0  }
0xbf: {  	s0 =	sadd.s32 $0x8F2B, s0  }
0xc0: {  	[sflag:s0] =	ssyncadd.remote.s32 $0x1  }
0xc1: {  	_ =	sfence.sel $0xFFFF  }
0xc2: {  	[dreg:$0x0] =	wrdreg $0xFFFFFFFF;
	(pc) =	sbr.abs _section_cstart, $3  }
0xc3: {  	[dreg:$0x1] =	wrdreg $0xFFFFFFFF  }
0xc4: {  	_ =	task.clear_ibuf [dreg:s9], $0x2FFFF;
	_ =	strace $0x9FFFFFFF  }
0xc5: {  	(tm) =	ssettm $0x7FFFFFFF  }
tec
execute0_lowered:
.L_overlay_start_1:
0x0: {  	(tag) =	ssettag $0x1  }
0x1: {  	s0 =	rddreg [dreg:$0x0]  }
0x2: {  	s1 =	srdreg.scid;
	s2 =	rddreg [dreg:$0x1]  }
0x3: {  	s10 =	stileid.u32;
	s4 =	rddreg [dreg:$0x2]  }
0x4: {  	s12 =	simm.s32 $0xD;
	s13 =	simm.s32 $0x80;
	s14 =	simm.s32 $0x6400  }
0x5: {  	s28 =	simm.s32 $0x8;
	s29 =	simm.s32 $0x6;
	s9 =	smul.u32 $0xC8000, s10  }
0x6: {  	s30 =	simm.s32 $0x9;
	s1 =	sand.u32 $0x1, s1;
	s15 =	smul.u32 $0x640000, s10  }
0x7: {  	s31 =	simm.s32 $0xA;
	s3 =	sshll.u32 s10, $0x1;
	s16 =	smul.u32 $0x320000, s1  }
0x8: {  	s5 =	sor.u32 s1, s3;
	s3 =	simm.s32 $0x0;
	s18 =	smul.u32 $0x64000, s1  }
0x9: {  	s7 =	ssub.s32 $0x2, s1;
	s1 =	simm.s32 $0xB;
	s6 =	smul.u32 $0x6400, s5  }
0xa: {  	[smem:$0x7FF] =	sst s3;
	s5 =	smul.u32 $0x320000, s5;
	s8 =	sshrl.u32 s7, $0x1  }
0xb: {  	s20 =	sadd.s32 s9, s4;
	_ =	strace $0x80000047;
	s7 =	ssub.s32 s7, s8  }
0xc: {  	s21 =	sadd.s32 s16, s15;
	s8 =	sadd.s32 s18, s20;
	s15 =	simm.s32 $0xA400  }
0xd: {  	s18 =	simm.s32 $0x1;
	s20 =	simm.s32 $0x2;
	s16 =	simm.s32 $0x0  }
0xe: {  	s5 =	sshrl.u32 s5, $0x3;
	s6 =	sshrl.u32 s6, $0x3;
	s22 =	smax.u32 s7, $0x1  }
0xf: {  	s23 =	sor.u32 $0x14000, s21;
	s24 =	sor.u32 $0x10000, s21;
	s5 =	sadd.s32 s4, s5  }
0x10: {  	s0 =	sadd.s32 s0, s6;
	[dreg:$0x7] =	wrdreg s22;
	s25 =	sshrl.u32 s24, $0x3  }
0x11: {  	s22 =	simm.s32 $0x3;
	s24 =	simm.s32 $0x4;
	[dreg:$0x4] =	wrdreg s0  }
0x12: {  	s17 =	sadd.s32 $0x63000, s5;
	s19 =	sadd.s32 $0x63800, s5;
	s0 =	sshrl.u32 s23, $0x3  }
.Ltmp0:
0x13: {  	s5 =	sor.u32 $0xC000, s21;
	s10 =	sadd.s32 s25, s4;
	(pc) =	sbr.rel .LBB2_1-.Ltmp0, $4  }
0x14: {  	s21 =	simm.s32 $0x16400;
	s23 =	simm.s32 $0x1A400;
	[dreg:$0x5] =	wrdreg s17  }
0x15: {  	s25 =	simm.s32 $0x7;
	[dreg:$0x6] =	wrdreg s19;
	s9 =	sadd.s32 s0, s4  }
0x16: {  	s26 =	sshrl.u32 s5, $0x3;
	s17 =	simm.s32 $0xE400;
	s19 =	simm.s32 $0x12400  }
0x17: {  	s0 =	simm.s32 $0xC;
	s11 =	sadd.s32 s26, s4;
	s26 =	simm.s32 $0x5  }
.LBB2_4:
0x18: {  	_ =	swait.ge [sflag:s18], $0x4000  }
0x19: {  	[sflag:s18] =	ssyncset.done $0x0  }
0x1a: {  	s4 =	rddreg [dreg:$0x5];
	[sflag:s18] =	ssyncadd.s32 $0xFFFFC000  }
0x1b: {  	[hbm4b:s4+s3] =	stream.linear.scatter [tilespmem:s14], [sflag:$0x7], $0x4000, $0x38;
	[tilespmem:$0x1E400] =	vst v63  }
0x1c: {  	_ =	swait.ge [sflag:s31], $0x4000  }
0x1d: {  	[sflag:s31] =	ssyncset.done $0x0  }
0x1e: {  	[sflag:s31] =	ssyncadd.s32 $0xFFFFC000  }
0x1f: {  	_ =	swait.ge [sflag:s20], $0x4000  }
0x20: {  	[sflag:s20] =	ssyncset.done $0x0  }
0x21: {  	s6 =	rddreg [dreg:$0x6];
	[sflag:s20] =	ssyncadd.s32 $0xFFFFC000  }
0x22: {  	[hbm4b:s6+s3] =	stream.linear.scatter [tilespmem:s15], [sflag:$0x8], $0x4000, $0x38;
	[tilespmem:$0x1E400] =	vst v63  }
0x23: {  	_ =	swait.ge [sflag:s1], $0x4000  }
0x24: {  	[sflag:s1] =	ssyncset.done $0x0  }
0x25: {  	[sflag:s1] =	ssyncadd.s32 $0xFFFFC000  }
0x26: {  	_ =	swait.ge [sflag:s0], $0x4000  }
0x27: {  	[sflag:s0] =	ssyncset.done $0x0  }
0x28: {  	[sflag:s0] =	ssyncadd.s32 $0xFFFFC000  }
0x29: {  	_ =	swait.ge [sflag:s25], $0x4000  }
0x2a: {  	[sflag:s25] =	ssyncset.done $0x0  }
0x2b: {  	[sflag:s25] =	ssyncadd.s32 $0xFFFFC000  }
0x2c: {  	_ =	swait.ge [sflag:s28], $0x4000  }
0x2d: {  	s16 =	sadd.s32 $0x1, s16;
	s7 =	rddreg [dreg:$0x7]  }
0x2e: {  	p0 =	sne.s32 s16, s7  }
.Ltmp1:
0x2f: {  	_ = 	snop;
	(pc) =	sbr.rel @!p0 .LBB2_5-.Ltmp1, $3  }
0x30: {  	_ =	sdelay $0x1  }
0x31: {  	[sflag:s28] =	ssyncset.done $0x0  }
0x32: {  	[sflag:s28] =	ssyncadd.s32 $0xFFFFC000  }
.LBB2_1:
0x33: {  	s4 =	rddreg [dreg:$0x4]  }
0x34: {  	[tilespmem:s3], [sflag:$0xD] =	stream.linear.gather [hbm4b:s4+s3], $0x6400, $0x38;
	[tilespmem:$0x1E400] =	vst v63  }
0x35: {  	_ =	swait.ge [sflag:s12], $0x6400  }
0x36: {  	[sflag:s12] =	ssyncset.done $0x0  }
0x37: {  	[sflag:s12] =	ssyncadd.s32 $0xFFFF9C00  }
0x38: {  	[tilespmem:s14], [sflag:$0x1] =	stream.indirect.gather [hbm4b:s2+s13], $0x80, s3, s13, $0xb8;
	[tilespmem:$0x1E400] =	vst v63  }
0x39: {  	_ = 	snop  }
0x3a: {  	[tilespmem:s15], [sflag:$0x2] =	stream.indirect.gather [hbm4b:s2+s13], $0x80, s13, s13, $0xb8;
	[tilespmem:$0x1E400] =	vst v63  }
0x3b: {  	s7 =	simm.s32 $0x100;
	s5 =	simm.s32 $0x0;
	s4 =	simm.s32 $0x200  }
0x3c: {  	[tilespmem:s17], [sflag:$0x3] =	stream.indirect.gather [hbm4b:s2+s13], $0x80, s7, s13, $0xb8;
	[tilespmem:$0x1E400] =	vst v63  }
.LBB2_2:
0x3d: {  	_ =	swait.ge [sflag:s18], $0x4000  }
0x3e: {  	p0 =	seq.s32 s5, $0x0;
	[sflag:s18] =	ssyncset.done $0x0  }
0x3f: {  	s6 =	sadd.s32 s5, s8;
	s7 =	simm.s32 @!p0 $0xA;
	[sflag:s18] =	ssyncadd.s32 $0xFFFFC000  }
0x40: {  	[hbm4b:s6+s3] =	stream.linear.scatter [tilespmem:s14], [sflag:$0x7], $0x4000, $0x38;
	[tilespmem:$0x1E400] =	vst v63  }
0x41: {  	_ =	swait.ge @!p0 [sflag:s7], $0x4000  }
0x42: {  	[sflag:s7] =	ssyncset.done @!p0 $0x0  }
0x43: {  	[sflag:s7] =	ssyncadd.s32 @!p0 $0xFFFFC000;
	s7 =	sadd.s32 $0xFFFFFF80, s4  }
0x44: {  	[tilespmem:s19], [sflag:$0x4] =	stream.indirect.gather [hbm4b:s2+s13], $0x80, s7, s13, $0xb8;
	[tilespmem:$0x1E400] =	vst v63  }
0x45: {  	_ =	swait.ge [sflag:s20], $0x4000  }
0x46: {  	[sflag:s20] =	ssyncset.done $0x0  }
0x47: {  	s7 =	sadd.s32 $0x800, s6;
	[sflag:s20] =	ssyncadd.s32 $0xFFFFC000  }
0x48: {  	[hbm4b:s7+s3] =	stream.linear.scatter [tilespmem:s15], [sflag:$0x8], $0x4000, $0x38;
	[tilespmem:$0x1E400] =	vst v63  }
0x49: {  	s7 =	simm.s32 @!p0 $0xB  }
0x4a: {  	_ =	swait.ge @!p0 [sflag:s7], $0x4000  }
0x4b: {  	[sflag:s7] =	ssyncset.done @!p0 $0x0  }
0x4c: {  	[sflag:s7] =	ssyncadd.s32 @!p0 $0xFFFFC000  }
0x4d: {  	[tilespmem:s21], [sflag:$0x5] =	stream.indirect.gather [hbm4b:s2+s13], $0x80, s4, s13, $0xb8;
	[tilespmem:$0x1E400] =	vst v63  }
0x4e: {  	_ =	swait.ge [sflag:s22], $0x4000  }
0x4f: {  	[sflag:s22] =	ssyncset.done $0x0  }
0x50: {  	s6 =	sadd.s32 $0x1000, s6;
	[sflag:s22] =	ssyncadd.s32 $0xFFFFC000  }
0x51: {  	[hbm4b:s6+s3] =	stream.linear.scatter [tilespmem:s17], [sflag:$0x9], $0x4000, $0x38;
	[tilespmem:$0x1E400] =	vst v63  }
0x52: {  	s6 =	simm.s32 @!p0 $0xC  }
0x53: {  	_ =	swait.ge @!p0 [sflag:s6], $0x4000  }
0x54: {  	[sflag:s6] =	ssyncset.done @!p0 $0x0  }
0x55: {  	s7 =	sadd.s32 $0x80, s4;
	[sflag:s6] =	ssyncadd.s32 @!p0 $0xFFFFC000  }
0x56: {  	[tilespmem:s23], [sflag:$0x6] =	stream.indirect.gather [hbm4b:s2+s13], $0x80, s7, s13, $0xb8;
	[tilespmem:$0x1E400] =	vst v63  }
0x57: {  	_ =	swait.ge [sflag:s24], $0x4000  }
0x58: {  	[sflag:s24] =	ssyncset.done $0x0  }
0x59: {  	s7 =	sadd.s32 s5, s11;
	[sflag:s24] =	ssyncadd.s32 $0xFFFFC000  }
0x5a: {  	[hbm4b:s7+s3] =	stream.linear.scatter [tilespmem:s19], [sflag:$0xA], $0x4000, $0x38;
	[tilespmem:$0x1E400] =	vst v63  }
0x5b: {  	_ =	swait.ge [sflag:s25], $0x4000  }
0x5c: {  	[sflag:s25] =	ssyncset.done $0x0  }
0x5d: {  	s7 =	sadd.s32 $0x100, s4;
	[sflag:s25] =	ssyncadd.s32 $0xFFFFC000  }
0x5e: {  	[tilespmem:s14], [sflag:$0x1] =	stream.indirect.gather [hbm4b:s2+s13], $0x80, s7, s13, $0xb8;
	[tilespmem:$0x1E400] =	vst v63  }
0x5f: {  	_ =	swait.ge [sflag:s26], $0x4000  }
0x60: {  	[sflag:s26] =	ssyncset.done $0x0  }
0x61: {  	s7 =	sadd.s32 s5, s10;
	[sflag:s26] =	ssyncadd.s32 $0xFFFFC000  }
0x62: {  	[hbm4b:s7+s3] =	stream.linear.scatter [tilespmem:s21], [sflag:$0xB], $0x4000, $0x38;
	[tilespmem:$0x1E400] =	vst v63  }
0x63: {  	_ =	swait.ge [sflag:s28], $0x4000  }
0x64: {  	[sflag:s28] =	ssyncset.done $0x0  }
0x65: {  	s7 =	sadd.s32 $0x180, s4;
	[sflag:s28] =	ssyncadd.s32 $0xFFFFC000  }
0x66: {  	[tilespmem:s15], [sflag:$0x2] =	stream.indirect.gather [hbm4b:s2+s13], $0x80, s7, s13, $0xb8;
	[tilespmem:$0x1E400] =	vst v63  }
0x67: {  	_ =	swait.ge [sflag:s29], $0x4000  }
0x68: {  	p0 =	seq.s32 s5, $0x60000;
	[sflag:s29] =	ssyncset.done $0x0  }
.Ltmp2:
0x69: {  	s7 =	sadd.s32 s5, s9;
	[sflag:s29] =	ssyncadd.s32 $0xFFFFC000;
	(pc) =	sbr.rel @p0 .LBB2_4-.Ltmp2, $4  }
0x6a: {  	[hbm4b:s7+s3] =	stream.linear.scatter [tilespmem:s23], [sflag:$0xC], $0x4000, $0x38;
	[tilespmem:$0x1E400] =	vst v63  }
0x6b: {  	_ =	swait.ge [sflag:s30], $0x4000  }
0x6c: {  	[sflag:s30] =	ssyncset.done $0x0  }
0x6d: {  	[sflag:s30] =	ssyncadd.s32 $0xFFFFC000  }
.Ltmp3:
0x6e: {  	(pc) =	sbr.rel .LBB2_2-.Ltmp3, $3  }
0x6f: {  	_ =	sdelay $0x1  }
0x70: {  	s6 =	sadd.s32 $0x200, s4;
	s5 =	sadd.s32 $0x3000, s5;
	s4 =	sadd.s32 $0x300, s4  }
0x71: {  	[tilespmem:s17], [sflag:$0x3] =	stream.indirect.gather [hbm4b:s2+s13], $0x80, s6, s13, $0xb8;
	[tilespmem:$0x1E400] =	vst v63  }
.LBB2_5:
0x72: {  	_ =	sfence.sel $0x180000  }
0x73: {  	[bflag:$0x0] =	sbarrier.arrive $0xFFFF  }
0x74: {  	_ =	strace $0x90000047  }
0x75: {  	s0 =	stileid.u32;
	[bflag:$0x2] =	sbarrier.arrive $0xFFFF  }
0x76: {  	p0 =	sne.s32 s0, $0x0;
	s0 =	rddreg [dreg:$0x3]  }
0x77: {  	s0 =	sadd.s32 @!p0 $0x100000, s0  }
0x78: {  	[sflag:s0] =	ssyncadd.tile.s32 @!p0 $0x1;
	_ =	shalt  }
.Lfunc_end2:
_tile_overlayer_lowered:
.L_overlay_start_2:
0x79: {  	(tag) =	ssettag $0x2  }
0x7a: {  	s0 =	rddreg [dreg:$0x0];
	s2 =	stileid.u32  }
0x7b: {  	s1 =	rddreg [dreg:$0x1];
	p0 =	sne.s32 s2, $0x0  }
0x7c: {  	s3 =	rddreg [dreg:$0x2];
	[bflag:$0x3] =	sbarrier.arrive $0xFFFF;
	s2 =	simm.s32 @!p0 $0x1C0D  }
0x7d: {  	[timem:s3], [sflag:s2] =	dma.local @!p0 [hbm:s0], s1  }
0x7e: {  	s0 =	simm.s32 @!p0 $0xD  }
0x7f: {  	_ =	swait.ge @!p0 [sflag:s0], s1  }
0x80: {  	s1 =	ssub.s32 @!p0 $0x0, s1;
	[sflag:s0] =	ssyncset.done @!p0 $0x0  }
0x81: {  	[sflag:s0] =	ssyncadd.s32 @!p0 s1  }
0x82: {  	[bflag:$0x3] =	sbarrier.arrive $0xFFFF  }
0x83: {  	_ =	shalt  }

</sc_bundles>
